<compile_context>
chip_gen: v7x
topology: tpu7x:2x2x1
jax: 0.10.2.dev20260603
libtpu: 0.0.44.dev20260713+nightly
codegen_flags: <defaults>
</compile_context>

<pallas_src>
import functools

import jax
import jax.numpy as jnp
from jax import lax
from jax.experimental import pallas as pl
from jax.experimental.pallas import tpu as pltpu
from jax.experimental.pallas import tpu_sc as plsc

_ACT_N = 128
_L = 16
_CHUNKS = _ACT_N // _L


def _qagent_body(q_hbm, obs_hbm, out_hbm, idx_v, row_v, res_v, sem):
    cid = lax.axis_index("c")
    sid = lax.axis_index("s")

    @pl.when(jnp.logical_and(cid == 0, sid == 0))
    def _():
        pltpu.sync_copy(obs_hbm, idx_v)
        pltpu.async_copy(q_hbm.at[idx_v], row_v, sem).wait()

        iota = lax.iota(jnp.int32, _L)
        perms = [jnp.bitwise_xor(iota, 1 << k) for k in range(4)]

        dnums = lax.GatherDimensionNumbers(
            offset_dims=(), collapsed_slice_dims=(0,), start_index_map=(0,))

        def _shuffle(v, p):
            return lax.gather(
                v, p[:, None], dimension_numbers=dnums, slice_sizes=(1,),
                mode=lax.GatherScatterMode.PROMISE_IN_BOUNDS)

        m = row_v[0, pl.ds(0, _L)]
        for j in range(1, _CHUNKS):
            m = jnp.maximum(m, row_v[0, pl.ds(j * _L, _L)])
        for p in perms:
            m = jnp.maximum(m, _shuffle(m, p))

        best = jnp.full((_L,), _ACT_N, jnp.int32)
        for j in range(_CHUNKS):
            c = row_v[0, pl.ds(j * _L, _L)]
            cand = jnp.where(c == m, iota + j * _L, _ACT_N)
            best = jnp.minimum(best, cand)
        for p in perms:
            best = jnp.minimum(best, _shuffle(best, p))

        res_v[...] = best
        pltpu.sync_copy(res_v, out_hbm)


@functools.partial(
    pl.kernel,
    mesh=plsc.VectorSubcoreMesh(
        core_axis_name="c", subcore_axis_name="s", num_cores=1),
    out_type=jax.ShapeDtypeStruct((_L,), jnp.int32),
    scratch_types=[
        pltpu.VMEM((1,), jnp.int32),
        pltpu.VMEM((1, _ACT_N), jnp.float32),
        pltpu.VMEM((_L,), jnp.int32),
        pltpu.SemaphoreType.DMA,
    ],
)
def _qagent_sc(q_hbm, obs_hbm, out_hbm, idx_v, row_v, res_v, sem):
    _qagent_body(q_hbm, obs_hbm, out_hbm, idx_v, row_v, res_v, sem)


def kernel(Q, obs):
    obs_v = jnp.reshape(jnp.asarray(obs, jnp.int32), (1,))
    out = _qagent_sc(Q, obs_v)
    return out[0]

# --- scband reference (transcript-rebuilt; emitter-appended) ---
"""Pipeline reference for scband-qagent-14396730376359 (READ-ONLY COPY).

The authoritative reference and input builder live on the scoring server;
editing this copy changes nothing except your own understanding.
"""

import jax, jax.numpy as jnp
import numpy as np

OBS_N = 100000
ACT_N = 128

def setup_inputs(seed: int = 0) -> dict:
    key = jax.random.key(seed)
    # Learned parameter: Q-table (original init is zeros; randomized here so argmax is nontrivial)
    Q = jax.random.normal(key, (OBS_N, ACT_N), dtype=jnp.float32)
    obs = 12345  # scalar state index, < OBS_N
    return {"Q": Q, "obs": obs}

def reference(Q, obs):
    # Faithful translation of QAgent.forward:
    #   Q_list = self.Q[obs, :]
    #   maxQ = Q_list.max()
    #   action in {i : Q_list[i] == maxQ}  (original samples uniformly among ties;
    #   deterministic jax equivalent: first tied index, i.e. argmax)
    Q_list = Q[obs, :]
    maxQ = jnp.max(Q_list)
    action = jnp.argmax(Q_list == maxQ)
    return action

if __name__ == "__main__":
    import jax
    _d = setup_inputs()
    print(jax.jit(kernel)(*tuple(_d.values())))

</pallas_src>

<mosaic_0001>
#map = affine_map<(d0, d1) -> (0, 0)>
#map1 = affine_map<(d0, d1) -> (0)>
module attributes {stable_mosaic.version = 14 : i64} {
  func.func @_qagent_sc(%arg0: i32, %arg1: i32, %arg2: memref<100000x128xf32, #tpu.memory_space<hbm>>, %arg3: memref<1xi32, #tpu.memory_space<hbm>>, %arg4: memref<16xi32, #tpu.memory_space<hbm>>, %arg5: memref<1xi32, #tpu.memory_space<vmem>>, %arg6: memref<1x128xf32, #tpu.memory_space<vmem>>, %arg7: memref<16xi32, #tpu.memory_space<vmem>>, %arg8: memref<!tpu.dma_semaphore, #tpu.memory_space<semaphore_mem>>) attributes {dimension_semantics = [#tpu.dimension_semantics<core_parallel>, #tpu.dimension_semantics<subcore_parallel>], iteration_bounds = array<i64: 1, 16>, scalar_prefetch = 0 : i64, scratch_operands = 4 : i64, tpu.core_type = #tpu.core_type<sc_vector_subcore>, window_params = [{transform_indices = #map}, {transform_indices = #map1}, {transform_indices = #map1}]} {
    %eq3A = arith.constant 0 : i32
    %eq3A_0 = arith.cmpi eq, %arg0, %eq3A : i32
    %eq3A_1 = arith.constant 0 : i32
    %eq3A_2 = arith.cmpi eq, %arg1, %eq3A_1 : i32
    %and3A = arith.andi %eq3A_0, %eq3A_2 : i1
    %convert_element_type3A = arith.extui %and3A : i1 to i32
    %cond3A = arith.constant 0 : i32
    %cond3A_3 = arith.cmpi ne, %convert_element_type3A, %cond3A : i32
    scf.if %cond3A_3 {
      "tpu.region"() ({
        %run_scoped3A = tpu.sem_alloc : memref<!tpu.dma_semaphore, #tpu.memory_space<semaphore_mem>>
        tpu.enqueue_dma source(%arg3 : memref<1xi32, #tpu.memory_space<hbm>>) target(%arg5 : memref<1xi32, #tpu.memory_space<vmem>>) target_semaphore(%run_scoped3A : memref<!tpu.dma_semaphore, #tpu.memory_space<semaphore_mem>>)
        tpu.wait_dma2 semaphore(%run_scoped3A : memref<!tpu.dma_semaphore, #tpu.memory_space<semaphore_mem>>) src(%arg3 : memref<1xi32, #tpu.memory_space<hbm>>) dst(%arg5 : memref<1xi32, #tpu.memory_space<vmem>>)
        tpu.yield
      }) : () -> ()
      %dma_start3A = arith.constant 0 : i32
      %dma_start3A_4 = arith.constant 0 : i32
      %dma_start3A_5 = tpu.memref_slice %arg2[%dma_start3A, %dma_start3A_4] : memref<100000x128xf32, #tpu.memory_space<hbm>> -> memref<100000x128xf32, #tpu.memory_space<hbm>>
      tpu.enqueue_indirect_dma source(%dma_start3A_5 : memref<100000x128xf32, #tpu.memory_space<hbm>>) target(%arg6 : memref<1x128xf32, #tpu.memory_space<vmem>>) offsets(%arg5 : memref<1xi32, #tpu.memory_space<vmem>>) semaphore(%arg8 : memref<!tpu.dma_semaphore, #tpu.memory_space<semaphore_mem>>)
      %dma_wait3A = arith.constant 0 : i32
      %dma_wait3A_6 = arith.constant 0 : i32
      %dma_wait3A_7 = tpu.memref_slice %arg2[%dma_wait3A, %dma_wait3A_6] : memref<100000x128xf32, #tpu.memory_space<hbm>> -> memref<100000x128xf32, #tpu.memory_space<hbm>>
      tpu.wait_indirect_dma semaphore(%arg8 : memref<!tpu.dma_semaphore, #tpu.memory_space<semaphore_mem>>) src(%dma_wait3A_7 : memref<100000x128xf32, #tpu.memory_space<hbm>>) dst(%arg6 : memref<1x128xf32, #tpu.memory_space<vmem>>)
      %iota3A = tpu.iota {dimensions = array<i32: 0>} : vector<16xi32>
      %xor3A = arith.constant 1 : i32
      %xor3A_8 = vector.broadcast %xor3A : i32 to vector<16xi32>
      %xor3A_9 = arith.xori %iota3A, %xor3A_8 : vector<16xi32>
      %xor3A_10 = arith.constant 2 : i32
      %xor3A_11 = vector.broadcast %xor3A_10 : i32 to vector<16xi32>
      %xor3A_12 = arith.xori %iota3A, %xor3A_11 : vector<16xi32>
      %xor3A_13 = arith.constant 4 : i32
      %xor3A_14 = vector.broadcast %xor3A_13 : i32 to vector<16xi32>
      %xor3A_15 = arith.xori %iota3A, %xor3A_14 : vector<16xi32>
      %xor3A_16 = arith.constant 8 : i32
      %xor3A_17 = vector.broadcast %xor3A_16 : i32 to vector<16xi32>
      %xor3A_18 = arith.xori %iota3A, %xor3A_17 : vector<16xi32>
      %get3A = arith.constant 0 : i32
      %get3A_19 = arith.index_cast %get3A : i32 to index
      %get3A_20 = arith.constant 0 : index
      %get3A_21 = tpu.vector_load %arg6[%get3A_19, %get3A_20] {strides = array<i32>} : memref<1x128xf32, #tpu.memory_space<vmem>>, vector<1x16xf32>,
      %get3A_22 = vector.shape_cast %get3A_21 : vector<1x16xf32> to vector<16xf32>
      %get3A_23 = arith.constant 0 : i32
      %get3A_24 = arith.index_cast %get3A_23 : i32 to index
      %get3A_25 = arith.constant 16 : index
      %get3A_26 = tpu.vector_load %arg6[%get3A_24, %get3A_25] {strides = array<i32>} : memref<1x128xf32, #tpu.memory_space<vmem>>, vector<1x16xf32>,
      %get3A_27 = vector.shape_cast %get3A_26 : vector<1x16xf32> to vector<16xf32>
      %max3A = arith.maximumf %get3A_22, %get3A_27 : vector<16xf32>
      %get3A_28 = arith.constant 0 : i32
      %get3A_29 = arith.index_cast %get3A_28 : i32 to index
      %get3A_30 = arith.constant 32 : index
      %get3A_31 = tpu.vector_load %arg6[%get3A_29, %get3A_30] {strides = array<i32>} : memref<1x128xf32, #tpu.memory_space<vmem>>, vector<1x16xf32>,
      %get3A_32 = vector.shape_cast %get3A_31 : vector<1x16xf32> to vector<16xf32>
      %max3A_33 = arith.maximumf %max3A, %get3A_32 : vector<16xf32>
      %get3A_34 = arith.constant 0 : i32
      %get3A_35 = arith.index_cast %get3A_34 : i32 to index
      %get3A_36 = arith.constant 48 : index
      %get3A_37 = tpu.vector_load %arg6[%get3A_35, %get3A_36] {strides = array<i32>} : memref<1x128xf32, #tpu.memory_space<vmem>>, vector<1x16xf32>,
      %get3A_38 = vector.shape_cast %get3A_37 : vector<1x16xf32> to vector<16xf32>
      %max3A_39 = arith.maximumf %max3A_33, %get3A_38 : vector<16xf32>
      %get3A_40 = arith.constant 0 : i32
      %get3A_41 = arith.index_cast %get3A_40 : i32 to index
      %get3A_42 = arith.constant 64 : index
      %get3A_43 = tpu.vector_load %arg6[%get3A_41, %get3A_42] {strides = array<i32>} : memref<1x128xf32, #tpu.memory_space<vmem>>, vector<1x16xf32>,
      %get3A_44 = vector.shape_cast %get3A_43 : vector<1x16xf32> to vector<16xf32>
      %max3A_45 = arith.maximumf %max3A_39, %get3A_44 : vector<16xf32>
      %get3A_46 = arith.constant 0 : i32
      %get3A_47 = arith.index_cast %get3A_46 : i32 to index
      %get3A_48 = arith.constant 80 : index
      %get3A_49 = tpu.vector_load %arg6[%get3A_47, %get3A_48] {strides = array<i32>} : memref<1x128xf32, #tpu.memory_space<vmem>>, vector<1x16xf32>,
      %get3A_50 = vector.shape_cast %get3A_49 : vector<1x16xf32> to vector<16xf32>
      %max3A_51 = arith.maximumf %max3A_45, %get3A_50 : vector<16xf32>
      %get3A_52 = arith.constant 0 : i32
      %get3A_53 = arith.index_cast %get3A_52 : i32 to index
      %get3A_54 = arith.constant 96 : index
      %get3A_55 = tpu.vector_load %arg6[%get3A_53, %get3A_54] {strides = array<i32>} : memref<1x128xf32, #tpu.memory_space<vmem>>, vector<1x16xf32>,
      %get3A_56 = vector.shape_cast %get3A_55 : vector<1x16xf32> to vector<16xf32>
      %max3A_57 = arith.maximumf %max3A_51, %get3A_56 : vector<16xf32>
      %get3A_58 = arith.constant 0 : i32
      %get3A_59 = arith.index_cast %get3A_58 : i32 to index
      %get3A_60 = arith.constant 112 : index
      %get3A_61 = tpu.vector_load %arg6[%get3A_59, %get3A_60] {strides = array<i32>} : memref<1x128xf32, #tpu.memory_space<vmem>>, vector<1x16xf32>,
      %get3A_62 = vector.shape_cast %get3A_61 : vector<1x16xf32> to vector<16xf32>
      %max3A_63 = arith.maximumf %max3A_57, %get3A_62 : vector<16xf32>
      %broadcast_in_dim3A = vector.shape_cast %xor3A_9 : vector<16xi32> to vector<16x1xi32>
      %gather3A = vector.shape_cast %broadcast_in_dim3A : vector<16x1xi32> to vector<16xi32>
      %gather3A_64 = tpu.dynamic_gather %max3A_63[%gather3A] in [0] : vector<16xf32>, vector<16xi32> -> vector<16xf32>
      %max3A_65 = arith.maximumf %max3A_63, %gather3A_64 : vector<16xf32>
      %broadcast_in_dim3A_66 = vector.shape_cast %xor3A_12 : vector<16xi32> to vector<16x1xi32>
      %gather3A_67 = vector.shape_cast %broadcast_in_dim3A_66 : vector<16x1xi32> to vector<16xi32>
      %gather3A_68 = tpu.dynamic_gather %max3A_65[%gather3A_67] in [0] : vector<16xf32>, vector<16xi32> -> vector<16xf32>
      %max3A_69 = arith.maximumf %max3A_65, %gather3A_68 : vector<16xf32>
      %broadcast_in_dim3A_70 = vector.shape_cast %xor3A_15 : vector<16xi32> to vector<16x1xi32>
      %gather3A_71 = vector.shape_cast %broadcast_in_dim3A_70 : vector<16x1xi32> to vector<16xi32>
      %gather3A_72 = tpu.dynamic_gather %max3A_69[%gather3A_71] in [0] : vector<16xf32>, vector<16xi32> -> vector<16xf32>
      %max3A_73 = arith.maximumf %max3A_69, %gather3A_72 : vector<16xf32>
      %broadcast_in_dim3A_74 = vector.shape_cast %xor3A_18 : vector<16xi32> to vector<16x1xi32>
      %gather3A_75 = vector.shape_cast %broadcast_in_dim3A_74 : vector<16x1xi32> to vector<16xi32>
      %gather3A_76 = tpu.dynamic_gather %max3A_73[%gather3A_75] in [0] : vector<16xf32>, vector<16xi32> -> vector<16xf32>
      %max3A_77 = arith.maximumf %max3A_73, %gather3A_76 : vector<16xf32>
      %broadcast_in_dim3A_78 = arith.constant 128 : i32
      %broadcast_in_dim3A_79 = vector.broadcast %broadcast_in_dim3A_78 : i32 to vector<16xi32>
      %get3A_80 = arith.constant 0 : i32
      %get3A_81 = arith.index_cast %get3A_80 : i32 to index
      %get3A_82 = arith.constant 0 : index
      %get3A_83 = tpu.vector_load %arg6[%get3A_81, %get3A_82] {strides = array<i32>} : memref<1x128xf32, #tpu.memory_space<vmem>>, vector<1x16xf32>,
      %get3A_84 = vector.shape_cast %get3A_83 : vector<1x16xf32> to vector<16xf32>
      %eq3A_85 = arith.cmpf oeq, %get3A_84, %max3A_77 : vector<16xf32>
      %add3A = arith.constant 0 : i32
      %add3A_86 = vector.broadcast %add3A : i32 to vector<16xi32>
      %add3A_87 = arith.addi %iota3A, %add3A_86 : vector<16xi32>
      %jit3A = arith.constant 128 : i32
      %broadcast_in_dim3A_88 = vector.broadcast %jit3A : i32 to vector<16xi32>
      %select_n3A = arith.select %eq3A_85, %add3A_87, %broadcast_in_dim3A_88 : vector<16xi1>, vector<16xi32>
      %min3A = arith.minsi %broadcast_in_dim3A_79, %select_n3A : vector<16xi32>
      %get3A_89 = arith.constant 0 : i32
      %get3A_90 = arith.index_cast %get3A_89 : i32 to index
      %get3A_91 = arith.constant 16 : index
      %get3A_92 = tpu.vector_load %arg6[%get3A_90, %get3A_91] {strides = array<i32>} : memref<1x128xf32, #tpu.memory_space<vmem>>, vector<1x16xf32>,
      %get3A_93 = vector.shape_cast %get3A_92 : vector<1x16xf32> to vector<16xf32>
      %eq3A_94 = arith.cmpf oeq, %get3A_93, %max3A_77 : vector<16xf32>
      %add3A_95 = arith.constant 16 : i32
      %add3A_96 = vector.broadcast %add3A_95 : i32 to vector<16xi32>
      %add3A_97 = arith.addi %iota3A, %add3A_96 : vector<16xi32>
      %jit3A_98 = arith.constant 128 : i32
      %broadcast_in_dim3A_99 = vector.broadcast %jit3A_98 : i32 to vector<16xi32>
      %select_n3A_100 = arith.select %eq3A_94, %add3A_97, %broadcast_in_dim3A_99 : vector<16xi1>, vector<16xi32>
      %min3A_101 = arith.minsi %min3A, %select_n3A_100 : vector<16xi32>
      %get3A_102 = arith.constant 0 : i32
      %get3A_103 = arith.index_cast %get3A_102 : i32 to index
      %get3A_104 = arith.constant 32 : index
      %get3A_105 = tpu.vector_load %arg6[%get3A_103, %get3A_104] {strides = array<i32>} : memref<1x128xf32, #tpu.memory_space<vmem>>, vector<1x16xf32>,
      %get3A_106 = vector.shape_cast %get3A_105 : vector<1x16xf32> to vector<16xf32>
      %eq3A_107 = arith.cmpf oeq, %get3A_106, %max3A_77 : vector<16xf32>
      %add3A_108 = arith.constant 32 : i32
      %add3A_109 = vector.broadcast %add3A_108 : i32 to vector<16xi32>
      %add3A_110 = arith.addi %iota3A, %add3A_109 : vector<16xi32>
      %jit3A_111 = arith.constant 128 : i32
      %broadcast_in_dim3A_112 = vector.broadcast %jit3A_111 : i32 to vector<16xi32>
      %select_n3A_113 = arith.select %eq3A_107, %add3A_110, %broadcast_in_dim3A_112 : vector<16xi1>, vector<16xi32>
      %min3A_114 = arith.minsi %min3A_101, %select_n3A_113 : vector<16xi32>
      %get3A_115 = arith.constant 0 : i32
      %get3A_116 = arith.index_cast %get3A_115 : i32 to index
      %get3A_117 = arith.constant 48 : index
      %get3A_118 = tpu.vector_load %arg6[%get3A_116, %get3A_117] {strides = array<i32>} : memref<1x128xf32, #tpu.memory_space<vmem>>, vector<1x16xf32>,
      %get3A_119 = vector.shape_cast %get3A_118 : vector<1x16xf32> to vector<16xf32>
      %eq3A_120 = arith.cmpf oeq, %get3A_119, %max3A_77 : vector<16xf32>
      %add3A_121 = arith.constant 48 : i32
      %add3A_122 = vector.broadcast %add3A_121 : i32 to vector<16xi32>
      %add3A_123 = arith.addi %iota3A, %add3A_122 : vector<16xi32>
      %jit3A_124 = arith.constant 128 : i32
      %broadcast_in_dim3A_125 = vector.broadcast %jit3A_124 : i32 to vector<16xi32>
      %select_n3A_126 = arith.select %eq3A_120, %add3A_123, %broadcast_in_dim3A_125 : vector<16xi1>, vector<16xi32>
      %min3A_127 = arith.minsi %min3A_114, %select_n3A_126 : vector<16xi32>
      %get3A_128 = arith.constant 0 : i32
      %get3A_129 = arith.index_cast %get3A_128 : i32 to index
      %get3A_130 = arith.constant 64 : index
      %get3A_131 = tpu.vector_load %arg6[%get3A_129, %get3A_130] {strides = array<i32>} : memref<1x128xf32, #tpu.memory_space<vmem>>, vector<1x16xf32>,
      %get3A_132 = vector.shape_cast %get3A_131 : vector<1x16xf32> to vector<16xf32>
      %eq3A_133 = arith.cmpf oeq, %get3A_132, %max3A_77 : vector<16xf32>
      %add3A_134 = arith.constant 64 : i32
      %add3A_135 = vector.broadcast %add3A_134 : i32 to vector<16xi32>
      %add3A_136 = arith.addi %iota3A, %add3A_135 : vector<16xi32>
      %jit3A_137 = arith.constant 128 : i32
      %broadcast_in_dim3A_138 = vector.broadcast %jit3A_137 : i32 to vector<16xi32>
      %select_n3A_139 = arith.select %eq3A_133, %add3A_136, %broadcast_in_dim3A_138 : vector<16xi1>, vector<16xi32>
      %min3A_140 = arith.minsi %min3A_127, %select_n3A_139 : vector<16xi32>
      %get3A_141 = arith.constant 0 : i32
      %get3A_142 = arith.index_cast %get3A_141 : i32 to index
      %get3A_143 = arith.constant 80 : index
      %get3A_144 = tpu.vector_load %arg6[%get3A_142, %get3A_143] {strides = array<i32>} : memref<1x128xf32, #tpu.memory_space<vmem>>, vector<1x16xf32>,
      %get3A_145 = vector.shape_cast %get3A_144 : vector<1x16xf32> to vector<16xf32>
      %eq3A_146 = arith.cmpf oeq, %get3A_145, %max3A_77 : vector<16xf32>
      %add3A_147 = arith.constant 80 : i32
      %add3A_148 = vector.broadcast %add3A_147 : i32 to vector<16xi32>
      %add3A_149 = arith.addi %iota3A, %add3A_148 : vector<16xi32>
      %jit3A_150 = arith.constant 128 : i32
      %broadcast_in_dim3A_151 = vector.broadcast %jit3A_150 : i32 to vector<16xi32>
      %select_n3A_152 = arith.select %eq3A_146, %add3A_149, %broadcast_in_dim3A_151 : vector<16xi1>, vector<16xi32>
      %min3A_153 = arith.minsi %min3A_140, %select_n3A_152 : vector<16xi32>
      %get3A_154 = arith.constant 0 : i32
      %get3A_155 = arith.index_cast %get3A_154 : i32 to index
      %get3A_156 = arith.constant 96 : index
      %get3A_157 = tpu.vector_load %arg6[%get3A_155, %get3A_156] {strides = array<i32>} : memref<1x128xf32, #tpu.memory_space<vmem>>, vector<1x16xf32>,
      %get3A_158 = vector.shape_cast %get3A_157 : vector<1x16xf32> to vector<16xf32>
      %eq3A_159 = arith.cmpf oeq, %get3A_158, %max3A_77 : vector<16xf32>
      %add3A_160 = arith.constant 96 : i32
      %add3A_161 = vector.broadcast %add3A_160 : i32 to vector<16xi32>
      %add3A_162 = arith.addi %iota3A, %add3A_161 : vector<16xi32>
      %jit3A_163 = arith.constant 128 : i32
      %broadcast_in_dim3A_164 = vector.broadcast %jit3A_163 : i32 to vector<16xi32>
      %select_n3A_165 = arith.select %eq3A_159, %add3A_162, %broadcast_in_dim3A_164 : vector<16xi1>, vector<16xi32>
      %min3A_166 = arith.minsi %min3A_153, %select_n3A_165 : vector<16xi32>
      %get3A_167 = arith.constant 0 : i32
      %get3A_168 = arith.index_cast %get3A_167 : i32 to index
      %get3A_169 = arith.constant 112 : index
      %get3A_170 = tpu.vector_load %arg6[%get3A_168, %get3A_169] {strides = array<i32>} : memref<1x128xf32, #tpu.memory_space<vmem>>, vector<1x16xf32>,
      %get3A_171 = vector.shape_cast %get3A_170 : vector<1x16xf32> to vector<16xf32>
      %eq3A_172 = arith.cmpf oeq, %get3A_171, %max3A_77 : vector<16xf32>
      %add3A_173 = arith.constant 112 : i32
      %add3A_174 = vector.broadcast %add3A_173 : i32 to vector<16xi32>
      %add3A_175 = arith.addi %iota3A, %add3A_174 : vector<16xi32>
      %jit3A_176 = arith.constant 128 : i32
      %broadcast_in_dim3A_177 = vector.broadcast %jit3A_176 : i32 to vector<16xi32>
      %select_n3A_178 = arith.select %eq3A_172, %add3A_175, %broadcast_in_dim3A_177 : vector<16xi1>, vector<16xi32>
      %min3A_179 = arith.minsi %min3A_166, %select_n3A_178 : vector<16xi32>
      %broadcast_in_dim3A_180 = vector.shape_cast %xor3A_9 : vector<16xi32> to vector<16x1xi32>
      %gather3A_181 = vector.shape_cast %broadcast_in_dim3A_180 : vector<16x1xi32> to vector<16xi32>
      %gather3A_182 = tpu.dynamic_gather %min3A_179[%gather3A_181] in [0] : vector<16xi32>, vector<16xi32> -> vector<16xi32>
      %min3A_183 = arith.minsi %min3A_179, %gather3A_182 : vector<16xi32>
      %broadcast_in_dim3A_184 = vector.shape_cast %xor3A_12 : vector<16xi32> to vector<16x1xi32>
      %gather3A_185 = vector.shape_cast %broadcast_in_dim3A_184 : vector<16x1xi32> to vector<16xi32>
      %gather3A_186 = tpu.dynamic_gather %min3A_183[%gather3A_185] in [0] : vector<16xi32>, vector<16xi32> -> vector<16xi32>
      %min3A_187 = arith.minsi %min3A_183, %gather3A_186 : vector<16xi32>
      %broadcast_in_dim3A_188 = vector.shape_cast %xor3A_15 : vector<16xi32> to vector<16x1xi32>
      %gather3A_189 = vector.shape_cast %broadcast_in_dim3A_188 : vector<16x1xi32> to vector<16xi32>
      %gather3A_190 = tpu.dynamic_gather %min3A_187[%gather3A_189] in [0] : vector<16xi32>, vector<16xi32> -> vector<16xi32>
      %min3A_191 = arith.minsi %min3A_187, %gather3A_190 : vector<16xi32>
      %broadcast_in_dim3A_192 = vector.shape_cast %xor3A_18 : vector<16xi32> to vector<16x1xi32>
      %gather3A_193 = vector.shape_cast %broadcast_in_dim3A_192 : vector<16x1xi32> to vector<16xi32>
      %gather3A_194 = tpu.dynamic_gather %min3A_191[%gather3A_193] in [0] : vector<16xi32>, vector<16xi32> -> vector<16xi32>
      %min3A_195 = arith.minsi %min3A_191, %gather3A_194 : vector<16xi32>
      %swap3A = arith.constant 0 : index
      %swap3A_196 = tpu.vector_load %arg7[%swap3A] {strides = array<i32>} : memref<16xi32, #tpu.memory_space<vmem>>, vector<16xi32>,
      %swap3A_197 = vector.shape_cast %swap3A_196 : vector<16xi32> to vector<16xi32>
      %swap3A_198 = vector.shape_cast %min3A_195 : vector<16xi32> to vector<16xi32>
      tpu.vector_store %arg7[%swap3A], %swap3A_198 {strides = array<i32>} : memref<16xi32, #tpu.memory_space<vmem>>, vector<16xi32>,
      "tpu.region"() ({
        %run_scoped3A = tpu.sem_alloc : memref<!tpu.dma_semaphore, #tpu.memory_space<semaphore_mem>>
        tpu.enqueue_dma source(%arg7 : memref<16xi32, #tpu.memory_space<vmem>>) target(%arg4 : memref<16xi32, #tpu.memory_space<hbm>>) target_semaphore(%run_scoped3A : memref<!tpu.dma_semaphore, #tpu.memory_space<semaphore_mem>>)
        tpu.wait_dma2 semaphore(%run_scoped3A : memref<!tpu.dma_semaphore, #tpu.memory_space<semaphore_mem>>) src(%arg7 : memref<16xi32, #tpu.memory_space<vmem>>) dst(%arg4 : memref<16xi32, #tpu.memory_space<hbm>>)
        tpu.yield
      }) : () -> ()
    } else {
    }
    return
  }
}

</mosaic_0001>

<sc_bundles>
// kernel: kernel.3.cloned.1.call-start
scs
__scs_entry_jumppad:
0x0: {  	(pc) =	sbr.rel $0x88, $3  }
0x1: {  	(tag) =	ssettag $0x0;
	lr =	simm.s32 $0x1  }
0x2: {  	[smem:$0x3F9F] =	sst lr;
	_ =	strace $0xD0000000  }
0x3: {  	_ = 	snop  }
0x4: {  	_ = 	snop  }
0x5: {  	_ = 	snop  }
0x6: {  	_ = 	snop  }
0x7: {  	_ = 	snop  }
__scs_overlays_trampoline_lowered:
0x8: {  	[smem:$0x3FAE] =	sst s0  }
0x9: {  	[smem:$0x3FAF] =	sst s1  }
0xa: {  	[smem:$0x3FB0] =	sst s2  }
0xb: {  	[smem:$0x3FB1] =	sst s3  }
0xc: {  	[smem:$0x3FB2] =	sst s4  }
0xd: {  	[smem:$0x3FB3] =	sst s5  }
0xe: {  	[smem:$0x3FB4] =	sst s6  }
0xf: {  	[smem:$0x3FB5] =	sst s7  }
0x10: {  	[smem:$0x3FB6] =	sst s8  }
0x11: {  	[smem:$0x3FB7] =	sst s9;
	s0 =	simm.s32 @!p0 $0x0  }
0x12: {  	s1 =	sld [smem:$0x3F9D];
	s0 =	simm.s32 @p0 $0x1  }
0x13: {  	[smem:$0x3FB8] =	sst s0;
	s0 =	simm.s32 @!p1 $0x0  }
0x14: {  	s2 =	sld [smem:$0x3F9C];
	s0 =	simm.s32 @p1 $0x1  }
0x15: {  	[smem:$0x3FB9] =	sst s0;
	s0 =	simm.s32 @!p2 $0x0  }
0x16: {  	s3 =	sld [smem:$0x3FDB];
	s0 =	simm.s32 @p2 $0x1  }
0x17: {  	s4 =	simm.s32 $0x1BF5;
	[smem:$0x3FBB] =	sst s0  }
0x18: {  	s0 =	sld [smem:$0x3F9E];
	_ =	swait.ge [sflag:s4], $0x0  }
0x19: {  	s7 =	sld [smem:$0x3F9F]  }
0x1a: {  	s8 =	sadd.s32 $0xFFFFE003, lr  }
0x1b: {  	s9 =	sadd.s32 $0xFFFFFEF7, lr;
	s5 =	simm.s32 $0xFFFFFFFF;
	p2 =	slt.u32 s8, $0xFFFFF086  }
0x1c: {  	p1 =	slt.u32 s9, $0xF7A;
	s5 =	simm.s32 @!p2 $0x0  }
0x1d: {  	s5 =	simm.s32 @p1 $0x1;
	p0 =	seq.s32 s7, s2  }
0x1e: {  	s7 =	smul.u32 @!p0 $0xF7A, s2;
	p2 =	seq.s32 @!p0 s5, $0x0  }
0x1f: {  	s9 =	smul.u32 $0xF7A, s1;
	s8 =	simm.s32 @!p0 $0x1BF5;
	p2 =	por !p2, p0  }
0x20: {  	[sflag:s8] =	ssyncset.s32 @!p0 $0xFFFFF086;
	s6 =	sadd.s32 @!p0 s3, s7;
	s7 =	simm.s32 @!p0 $0x108  }
0x21: {  	s3 =	sadd.s32 s3, s9;
	s6 =	sadd.s32 @!p0 $0x88, s6;
	s7 =	simm.s32 @p2 $0x1082  }
0x22: {  	[simem:s7], [sflag:s8] =	dma.local @!p0 [hbm:s6], $0xF7A  }
0x23: {  	s9 =	sor.u32 $0xD0000000, s2;
	s6 =	simm.s32 $0x108;
	_ =	swait.ge @!p0 [sflag:s8], $0x0  }
0x24: {  	s3 =	sadd.s32 $0x88, s3;
	s6 =	simm.s32 @!p1 $0x1082;
	[sflag:s4] =	ssyncset.s32 $0xFFFFF086  }
0x25: {  	[simem:s6], [sflag:s4] =	dma.local [hbm:s3], $0xF7A  }
0x26: {  	[smem:$0x3F9F] =	sst s1;
	(tag) =	ssettag s2;
	_ =	strace s9  }
0x27: {  	s1 =	sld [smem:$0x3FAF]  }
0x28: {  	s2 =	sld [smem:$0x3FB0]  }
0x29: {  	s4 =	sld [smem:$0x3FB2]  }
0x2a: {  	p0 =	seq.s32 s5, $0x0;
	s5 =	sld [smem:$0x3FB3]  }
0x2b: {  	s6 =	sld [smem:$0x3FB4]  }
0x2c: {  	s7 =	sld [smem:$0x3FB5]  }
0x2d: {  	s3 =	simm.s32 $0x108;
	s8 =	sld [smem:$0x3FB6]  }
0x2e: {  	s3 =	simm.s32 @!p0 $0x1082;
	s9 =	sld [smem:$0x3FB7]  }
0x2f: {  	lr =	sadd.s32 s0, s3;
	s0 =	sld [smem:$0x3FAE]  }
0x30: {  	s3 =	sld [smem:$0x3FB1]  }
0x31: {  	[smem:$0x3FBA] =	sst s10  }
0x32: {  	s10 =	sld [smem:$0x3FB8];
	_ =	sdelay $0x3  }
0x33: {  	p0 =	seq.s32 s10, $0x1;
	s10 =	sld [smem:$0x3FBA];
	_ =	sdelay $0x3  }
0x34: {  	[smem:$0x3FBA] =	sst s10  }
0x35: {  	s10 =	sld [smem:$0x3FB9];
	_ =	sdelay $0x3  }
0x36: {  	p1 =	seq.s32 s10, $0x1;
	s10 =	sld [smem:$0x3FBA];
	_ =	sdelay $0x3  }
0x37: {  	[smem:$0x3FBA] =	sst s10  }
0x38: {  	s10 =	sld [smem:$0x3FBB]  }
0x39: {  	_ = 	snop;
	(pc) =	sbr.ind lr, $3  }
0x3a: {  	_ = 	snop  }
0x3b: {  	_ = 	snop  }
0x3c: {  	p2 =	seq.s32 s10, $0x1;
	s10 =	sld [smem:$0x3FBA]  }
0x3d: {  	_ =	shalt  }
0x3e: {  	_ =	shalt  }
0x3f: {  	_ =	shalt  }
0x40: {  	_ =	shalt  }
0x41: {  	_ =	shalt  }
0x42: {  	_ =	shalt  }
0x43: {  	_ =	shalt  }
0x44: {  	_ =	shalt  }
0x45: {  	_ =	shalt  }
0x46: {  	_ =	shalt  }
0x47: {  	_ =	shalt  }
0x48: {  	_ =	shalt  }
0x49: {  	_ =	shalt  }
0x4a: {  	_ =	shalt  }
0x4b: {  	_ =	shalt  }
0x4c: {  	_ =	shalt  }
0x4d: {  	_ =	shalt  }
0x4e: {  	_ =	shalt  }
0x4f: {  	_ =	shalt  }
0x50: {  	_ =	shalt  }
0x51: {  	_ =	shalt  }
0x52: {  	_ =	shalt  }
0x53: {  	_ =	shalt  }
0x54: {  	_ =	shalt  }
0x55: {  	_ =	shalt  }
0x56: {  	_ =	shalt  }
0x57: {  	_ =	shalt  }
0x58: {  	_ =	shalt  }
0x59: {  	_ =	shalt  }
0x5a: {  	_ =	shalt  }
0x5b: {  	_ =	shalt  }
0x5c: {  	_ =	shalt  }
0x5d: {  	_ =	shalt  }
0x5e: {  	_ =	shalt  }
0x5f: {  	_ =	shalt  }
0x60: {  	_ =	shalt  }
0x61: {  	_ =	shalt  }
0x62: {  	_ =	shalt  }
0x63: {  	_ =	shalt  }
0x64: {  	_ =	shalt  }
0x65: {  	_ =	shalt  }
0x66: {  	_ =	shalt  }
0x67: {  	_ =	shalt  }
0x68: {  	_ =	shalt  }
0x69: {  	_ =	shalt  }
0x6a: {  	_ =	shalt  }
0x6b: {  	_ =	shalt  }
0x6c: {  	_ =	shalt  }
0x6d: {  	_ =	shalt  }
0x6e: {  	_ =	shalt  }
0x6f: {  	_ =	shalt  }
0x70: {  	_ =	shalt  }
0x71: {  	_ =	shalt  }
0x72: {  	_ =	shalt  }
0x73: {  	_ =	shalt  }
0x74: {  	_ =	shalt  }
0x75: {  	_ =	shalt  }
0x76: {  	_ =	shalt  }
0x77: {  	_ =	shalt  }
0x78: {  	_ =	shalt  }
0x79: {  	_ =	shalt  }
0x7a: {  	_ =	shalt  }
0x7b: {  	_ =	shalt  }
0x7c: {  	_ =	shalt  }
0x7d: {  	_ =	shalt  }
0x7e: {  	_ =	shalt  }
0x7f: {  	_ =	shalt  }
0x80: {  	_ =	shalt  }
0x81: {  	_ =	shalt  }
0x82: {  	_ =	shalt  }
0x83: {  	_ =	shalt  }
0x84: {  	_ =	shalt  }
0x85: {  	_ =	shalt  }
0x86: {  	_ =	shalt  }
0x87: {  	_ =	shalt  }
.Lfunc_end0:
.L_simem_size_0:
called_computation_lowered:
.L_overlay_start_0:
0x88: {  	s0 =	sld [smem:$0x3FD9]  }
0x89: {  	s1 =	sld [smem:$0x3FFE];
	_ =	sdelay $0x3  }
0x8a: {  	s0 =	sadd.s32 s1, s0  }
0x8b: {  	[smem:$0x3FC6] =	sst s0  }
0x8c: {  	_ = 	snop  }
0x8d: {  	s0 =	sld [smem:$0x3FC9]  }
0x8e: {  	s17 =	sld [smem:$0x3FC8]  }
0x8f: {  	s2 =	sld [smem:$0x3FD0];
	(tm) =	ssettm $0x1  }
0x90: {  	s3 =	sld [smem:$0x3FFB];
	_ =	sdelay $0x3  }
0x91: {  	_ =	strace s3  }
0x92: {  	s3 =	sld [smem:$0x3FFC];
	_ =	sdelay $0x3  }
0x93: {  	_ =	strace s3  }
0x94: {  	s3 =	sld [smem:$0x3FFD];
	_ =	sdelay $0x3  }
0x95: {  	_ =	strace s3  }
0x96: {  	_ =	strace $0x8FFFFFFF  }
0x97: {  	s18 =	sld [smem:$0x3FDB];
	_ =	sdelay $0x1  }
0x98: {  	s4 =	simm.s32 $_scs_section_size  }
0x99: {  	s5 =	simm.s32 $_size__tile_overlayer_lowered;
	s6 =	simm.s32 $_tile_overlayer_lowered  }
0x9a: {  	s21 =	simm.s32 $0x1BFF;
	s20 =	sshll.u32 s6, $0x1;
	s3 =	sadd.s32 s4, s18  }
0x9b: {  	s7 =	simm.s32 $0x0;
	s19 =	sshll.u32 s5, $0x1;
	s5 =	sadd.s32 s20, s3  }
0x9c: {  	[timem:s7], [sflag:s21] =	dma.local [hbm:s5], s19  }
0x9d: {  	_ =	swait.ge [sflag:s21], s19  }
0x9e: {  	s4 =	ssub.s32 $0x0, s19;
	[sflag:s21] =	ssyncset.done $0x0  }
0x9f: {  	[sflag:s21] =	ssyncadd.s32 s4;
	_ =	sdelay $0x1  }
0xa0: {  	s22 =	simm.s32 $0x1B8B  }
0xa1: {  	_ =	swait.ge [sflag:s22], $0x1  }
0xa2: {  	[sflag:s22] =	ssyncset.done $0x0  }
0xa3: {  	s23 =	simm.s32 $0x1B8E;
	[sflag:s22] =	ssyncadd.s32 $0xFFFFFFFF  }
0xa4: {  	s24 =	simm.s32 $execute0_lowered;
	[smem:$0x3FD2] =	sst s23  }
0xa5: {  	s4 =	sshll.u32 s24, $0x1;
	_ =	strace $0x80000046;
	[dreg:$0x1] =	wrdreg $0xFFFFFFFF  }
0xa6: {  	s25 =	simm.s32 $_size_execute0_lowered;
	s3 =	sadd.s32 s3, s4;
	[dreg:$0x0] =	wrdreg $0x0  }
0xa7: {  	s4 =	sshll.u32 s25, $0x1;
	[dreg:$0x2] =	wrdreg s3  }
0xa8: {  	[dreg:$0x3] =	wrdreg s4  }
0xa9: {  	[dreg:$0x4] =	wrdreg $0xC0  }
0xaa: {  	_ =	task [dreg:s7], $0x5FFFF  }
0xab: {  	[dreg:$0x1] =	wrdreg $0xFFFFFFFF  }
0xac: {  	[dreg:$0x0] =	wrdreg $0x60  }
0xad: {  	[dreg:$0x2] =	wrdreg s0  }
0xae: {  	[dreg:$0x3] =	wrdreg s17  }
0xaf: {  	[dreg:$0x4] =	wrdreg s2  }
0xb0: {  	[dreg:$0x5] =	wrdreg $0x9  }
0xb1: {  	_ =	task.clear_ibuf [dreg:s7], $0x6FFFF;
	_ =	strace $0x90000046  }
0xb2: {  	s26 =	simm.s32 $0x9;
	_ =	strace $0x80000048  }
0xb3: {  	_ =	swait.ge [sflag:s26], $0x1  }
0xb4: {  	[sflag:s26] =	ssyncadd.s32 $0xFFFFFFFF  }
0xb5: {  	_ =	strace $0x90000048  }
0xb6: {  	_ =	sfence  }
0xb7: {  	s28 =	sld [smem:$0x0];
	_ =	sdelay $0x1  }
0xb8: {  	s29 =	srdreg.scid  }
0xb9: {  	s30 =	sshll.u32 s29, $0xD;
	s31 =	sshrl.u32 s29, $0x2  }
0xba: {  	s1 =	sand.u32 $0x1, s29;
	s2 =	sand.u32 $0x4000, s30;
	s0 =	sadd.s32 s31, s28  }
0xbb: {  	s1 =	sor.u32 s2, s1;
	s0 =	sshll.u32 s0, $0x11  }
0xbc: {  	s0 =	sor.u32 s0, s1  }
0xbd: {  	s0 =	sadd.s32 $0x8F2B, s0  }
0xbe: {  	[sflag:s0] =	ssyncadd.remote.s32 $0x1  }
0xbf: {  	_ =	sfence.sel $0xFFFF  }
0xc0: {  	[dreg:$0x0] =	wrdreg $0xFFFFFFFF;
	(pc) =	sbr.abs _section_cstart, $3  }
0xc1: {  	[dreg:$0x1] =	wrdreg $0xFFFFFFFF  }
0xc2: {  	_ =	task.clear_ibuf [dreg:s7], $0x2FFFF;
	_ =	strace $0x9FFFFFFF  }
0xc3: {  	(tm) =	ssettm $0x7FFFFFFF  }
tec
execute0_lowered:
.L_overlay_start_1:
0x0: {  	(tag) =	ssettag $0x1  }
0x1: {  	s4 =	rddreg [dreg:$0x0]  }
0x2: {  	s2 =	rddreg [dreg:$0x1]  }
0x3: {  	s1 =	rddreg [dreg:$0x2];
	s3 =	stileid.u32  }
0x4: {  	s0 =	rddreg [dreg:$0x3];
	_ =	strace $0x80000047;
	p0 =	sne.s32 s3, $0x0  }
0x5: {  	_ =	sfence.sel @p0 $0x180000  }
0x6: {  	[bflag:$0x0] =	sbarrier.arrive @p0 $0xFFFF  }
0x7: {  	_ =	strace @p0 $0x90000047  }
0x8: {  	[bflag:$0x2] =	sbarrier.arrive @p0 $0xFFFF  }
0x9: {  	_ =	shalt @p0  }
.LBB2_1:
0xa: {  	s3 =	simm.s32 $0x0;
	s30 =	simm.s32 $0x2  }
0xb: {  	[tilespmem:s3], [sflag:$0x2] =	stream.linear.gather [hbm4b:s2+s3], $0x80, $0x38;
	[tilespmem:$0x180] =	vst v63  }
0xc: {  	_ =	swait.ge [sflag:s30], $0x80  }
0xd: {  	[sflag:s30] =	ssyncset.done $0x0  }
0xe: {  	s5 =	simm.s32 $0x1;
	s6 =	simm.s32 $0x80;
	[sflag:s30] =	ssyncadd.s32 $0xFFFFFF80  }
0xf: {  	[tilespmem:s6], [sflag:$0x1] =	stream.indirect.gather [hbm4b:s4+s5], $0x80, s3, s5, $0xb8;
	[tilespmem:$0x180] =	vst v63  }
0x10: {  	_ =	swait.ge [sflag:s5], $0x80  }
0x11: {  	[sflag:s5] =	ssyncset.done $0x0  }
0x12: {  	[sflag:s5] =	ssyncadd.s32 $0xFFFFFF80  }
0x13: {  	v0 =	vld [tilespmem:$0x80]  }
0x14: {  	v1 =	vld [tilespmem:$0x90]  }
0x15: {  	v2 =	vld [tilespmem:$0xA0]  }
0x16: {  	v3 =	vld [tilespmem:$0xB0]  }
0x17: {  	v6 =	vimm.s32 $0xEFCDAB89;
	v7 =	vimm.s32 $0x67452301;
	v4 =	vld [tilespmem:$0xC0]  }
0x18: {  	v6 =	vunpack.c.l.s4.s8 v6;
	v7 =	vunpack.c.l.s4.s8 v7;
	v5 =	vld [tilespmem:$0xD0]  }
0x19: {  	v41 =	vimm.s32 $0xDCFE98BA;
	v11 =	vimm.s32 $0x54761032;
	v9 =	vld [tilespmem:$0xE0];
	v8 =	vmax.f32 v0, v1  }
0x1a: {  	v6 =	vunpack.c.0.s8.s32 v6;
	v7 =	vunpack.c.0.s8.s32 v7;
	v10 =	vld [tilespmem:$0xF0];
	v8 =	vmax.f32 v8, v2  }
0x1b: {  	v13 =	vimm.s32 $0xBA98FEDC;
	v11 =	vunpack.c.l.s4.s8 v11;
	v8 =	vmax.f32 v8, v3  }
0x1c: {  	v6 =	vcombine.low v7, v6;
	v7 =	vunpack.c.l.s4.s8 v41;
	v8 =	vmax.f32 v8, v4  }
0x1d: {  	v14 =	vimm.s32 $0x32107654;
	v13 =	vunpack.c.l.s4.s8 v13;
	v8 =	vmax.f32 v8, v5  }
0x1e: {  	v11 =	vunpack.c.0.s8.s32 v11;
	v7 =	vunpack.c.0.s8.s32 v7;
	v8 =	vmax.f32 v8, v9  }
0x1f: {  	v14 =	vunpack.c.l.s4.s8 v14;
	v6 =	vand.u32 $0xF, v6;
	v8 =	vmax.f32 v8, v10  }
0x20: {  	v44 =	vimm.s32 $0xFEDCBA98;
	v7 =	vcombine.low v11, v7;
	v12 =	vperm.xlane v8, v6  }
0x21: {  	v45 =	vimm.s32 $0x76543210;
	v42 =	vunpack.c.0.s8.s32 v13;
	v43 =	vunpack.c.0.s8.s32 v14  }
0x22: {  	v13 =	vunpack.c.l.s4.s8 v44;
	v7 =	vand.u32 $0xF, v7;
	v8 =	vmax.f32 v8, v12  }
0x23: {  	v14 =	vunpack.c.l.s4.s8 v45;
	v11 =	vcombine.low v43, v42;
	v46 =	vperm.xlane v8, v7  }
0x24: {  	v13 =	vunpack.c.0.s8.s32 v13  }
0x25: {  	v47 =	vunpack.c.0.s8.s32 v14;
	v11 =	vand.u32 $0xF, v11;
	v8 =	vmax.f32 v8, v46  }
0x26: {  	v13 =	vand.u32 $0xF, v13;
	v48 =	vperm.xlane v8, v11  }
0x27: {  	v12 =	vcombine.low v13, v47  }
0x28: {  	v8 =	vmax.f32 v8, v48  }
0x29: {  	v13 =	vperm.xlane v8, v12;
	_ =	sdelay $0x1  }
0x2a: {  	v49 =	vlaneseq.u32;
	v8 =	vmax.f32 v8, v13  }
0x2b: {  	v50 =	vor.u32 $0x70, v49;
	vm0 =	veq.f32 v10, v8  }
0x2c: {  	v52 =	vor.u32 $0x60, v49;
	vm1 =	veq.f32 v9, v8;
	v51 =	vnsel vm0, $0x80, v50  }
0x2d: {  	v53 =	vor.u32 $0x50, v49;
	vm9 =	veq.f32 v5, v8;
	v9 =	vsel vm1, v52, v51  }
0x2e: {  	v55 =	vor.u32 $0x40, v49;
	vm10 =	veq.f32 v4, v8;
	v54 =	vsel vm9, v53, v9  }
0x2f: {  	v57 =	vor.u32 $0x30, v49;
	vm11 =	veq.f32 v3, v8;
	v56 =	vsel vm10, v55, v54  }
0x30: {  	v59 =	vor.u32 $0x20, v49;
	vm12 =	veq.f32 v2, v8;
	v58 =	vsel vm11, v57, v56  }
0x31: {  	v61 =	vor.u32 $0x10, v49;
	vm13 =	veq.f32 v1, v8;
	v60 =	vsel vm12, v59, v58  }
0x32: {  	vm14 =	veq.f32 v0, v8;
	v62 =	vsel vm13, v61, v60  }
0x33: {  	v0 =	vsel vm14, v49, v62  }
0x34: {  	v63 =	vperm.xlane v0, v6;
	_ =	sdelay $0x1  }
0x35: {  	vm15 =	vlt.s32 v0, v63  }
0x36: {  	v0 =	vsel vm15, v0, v63  }
0x37: {  	v1 =	vperm.xlane v0, v7;
	_ =	sdelay $0x1  }
0x38: {  	vm0 =	vlt.s32 v0, v1  }
0x39: {  	v0 =	vsel vm0, v0, v1  }
0x3a: {  	v1 =	vperm.xlane v0, v11;
	_ =	sdelay $0x1  }
0x3b: {  	vm0 =	vlt.s32 v0, v1  }
0x3c: {  	v0 =	vsel vm0, v0, v1  }
0x3d: {  	v1 =	vperm.xlane v0, v12;
	_ =	sdelay $0x1  }
0x3e: {  	vm0 =	vlt.s32 v0, v1  }
0x3f: {  	v0 =	vsel vm0, v0, v1  }
0x40: {  	s31 =	simm.s32 $0x100;
	[tilespmem:$0x100] =	vst v0  }
0x41: {  	[hbm4b:s1+s3] =	stream.linear.scatter [tilespmem:s31], [sflag:$0x2], $0x80, $0x38;
	[tilespmem:$0x180] =	vst v63  }
0x42: {  	_ =	swait.ge [sflag:s30], $0x80  }
0x43: {  	[sflag:s30] =	ssyncset.done $0x0  }
0x44: {  	[sflag:s30] =	ssyncadd.s32 $0xFFFFFF80  }
0x45: {  	_ =	sfence.sel $0x180000  }
0x46: {  	[bflag:$0x0] =	sbarrier.arrive $0xFFFF  }
0x47: {  	_ =	strace $0x90000047  }
0x48: {  	s0 =	sadd.s32 $0x100000, s0;
	[bflag:$0x2] =	sbarrier.arrive $0xFFFF  }
0x49: {  	[sflag:s0] =	ssyncadd.tile.s32 $0x1;
	_ =	shalt  }
.Lfunc_end2:
_tile_overlayer_lowered:
.L_overlay_start_2:
0x4a: {  	(tag) =	ssettag $0x2  }
0x4b: {  	s0 =	rddreg [dreg:$0x0];
	s2 =	stileid.u32  }
0x4c: {  	s1 =	rddreg [dreg:$0x1];
	p0 =	sne.s32 s2, $0x0  }
0x4d: {  	s3 =	rddreg [dreg:$0x2];
	[bflag:$0x3] =	sbarrier.arrive $0xFFFF;
	s2 =	simm.s32 @!p0 $0x1C02  }
0x4e: {  	[timem:s3], [sflag:s2] =	dma.local @!p0 [hbm:s0], s1  }
0x4f: {  	s0 =	simm.s32 @!p0 $0x2  }
0x50: {  	_ =	swait.ge @!p0 [sflag:s0], s1  }
0x51: {  	s1 =	ssub.s32 @!p0 $0x0, s1;
	[sflag:s0] =	ssyncset.done @!p0 $0x0  }
0x52: {  	[sflag:s0] =	ssyncadd.s32 @!p0 s1  }
0x53: {  	[bflag:$0x3] =	sbarrier.arrive $0xFFFF  }
0x54: {  	_ =	shalt  }

</sc_bundles>
